<compile_context>
chip_gen: v7x
topology: tpu7x:2x2x1
jax: 0.10.2.dev20260603
libtpu: 0.0.44.dev20260713+nightly
codegen_flags: <defaults>
</compile_context>

<pallas_src>
import dataclasses
import functools

import jax
import jax.numpy as jnp
from jax import lax
from jax.experimental import pallas as pl
from jax.experimental.pallas import tpu as pltpu
from jax.experimental.pallas import tpu_sc as plsc

N = 10000
NP = 10240
E = 320000
D = 128

NC = 2
NS = 16
NW = NC * NS
EW = E // NW
G = 80
NCH = EW // G
NGRP = 5
GRPC = NCH // NGRP
RPS = NP // NS

_vmesh = plsc.VectorSubcoreMesh(core_axis_name="c", subcore_axis_name="s",
                                num_cores=NC, num_subcores=NS)

_sc_params = pltpu.CompilerParams()
if "needs_layout_passes" in pltpu.CompilerParams.__dataclass_fields__:
    _sc_params = dataclasses.replace(_sc_params, needs_layout_passes=False)



@jax.jit
def _sc_degrees(e5):
    @functools.partial(
        pl.kernel,
        out_type=jax.ShapeDtypeStruct((2, NC, NS, NP), jnp.float32),
        mesh=_vmesh,
        scratch_types=[
            pltpu.VMEM((NCH, G), jnp.int32),
            pltpu.VMEM((NCH, G), jnp.int32),
            pltpu.VMEM((NP,), jnp.float32),
            pltpu.VMEM((NP,), jnp.float32),
        ],
        compiler_params=_sc_params,
    )
    def k(e_hbm, out_hbm, src_v, dst_v, hs_v, hd_v):
        cid = lax.axis_index("c")
        sid = lax.axis_index("s")

        @pl.loop(0, NP // 16)
        def _(i):
            off = pl.multiple_of(i * 16, 16)
            hs_v[pl.ds(off, 16)] = jnp.zeros((16,), jnp.float32)
            hd_v[pl.ds(off, 16)] = jnp.zeros((16,), jnp.float32)

        pltpu.sync_copy(e_hbm.at[0, cid, sid], src_v)
        pltpu.sync_copy(e_hbm.at[1, cid, sid], dst_v)

        @pl.loop(0, NCH)
        def _(j):
            for kk in range(G // 16):
                s_idx = src_v[j, pl.ds(kk * 16, 16)]
                d_idx = dst_v[j, pl.ds(kk * 16, 16)]
                plsc.addupdate_scatter(hs_v, [s_idx], jnp.ones((16,), jnp.float32))
                plsc.addupdate_scatter(hd_v, [d_idx], jnp.ones((16,), jnp.float32))

        pltpu.sync_copy(hs_v, out_hbm.at[0, cid, sid])
        pltpu.sync_copy(hd_v, out_hbm.at[1, cid, sid])

    return k(e5)



@jax.jit
def _sc_aggregate(y, e6):
    @functools.partial(
        pl.kernel,
        out_type=jax.ShapeDtypeStruct((NC, NP, D), jnp.float32),
        mesh=_vmesh,
        scratch_types=[
            pltpu.VMEM((2, GRPC, G), jnp.int32),
            pltpu.VMEM((2, GRPC, G), jnp.int32),
            pltpu.VMEM((3, G, D), jnp.float32),
            pltpu.VMEM_SHARED((NP, D), jnp.float32),
            pltpu.SemaphoreType.DMA,
            pltpu.SemaphoreType.DMA,
            pltpu.SemaphoreType.DMA,
        ],
        compiler_params=_sc_params,
    )
    def k(y_hbm, e_hbm, out_hbm, src_v, dst_v, rows_v, acc_sh, gsem, ssem,
          isem):
        cid = lax.axis_index("c")
        sid = lax.axis_index("s")
        base = sid * RPS

        @pl.loop(0, G)
        def _(i):
            for kk in range(D // 16):
                rows_v[0, i, pl.ds(kk * 16, 16)] = jnp.zeros((16,), jnp.float32)

        for kk in range(RPS // G):
            pltpu.sync_copy(rows_v.at[0], acc_sh.at[pl.ds(base + kk * G, G)])
        plsc.subcore_barrier()

        pltpu.sync_copy(e_hbm.at[0, cid, sid, 0], src_v.at[0])
        pltpu.sync_copy(e_hbm.at[1, cid, sid, 0], dst_v.at[0])

        pltpu.async_copy(y_hbm.at[src_v.at[0, 0]], rows_v.at[0], gsem)
        pltpu.async_copy(y_hbm.at[src_v.at[0, 1]], rows_v.at[1], gsem)

        @pl.loop(0, NGRP)
        def _(g):
            p = lax.rem(g, 2)
            pn = 1 - p
            q0 = g * GRPC

            @pl.when(g + 1 < NGRP)
            def _():
                pltpu.async_copy(e_hbm.at[0, cid, sid, g + 1], src_v.at[pn],
                                 isem)
                pltpu.async_copy(e_hbm.at[1, cid, sid, g + 1], dst_v.at[pn],
                                 isem)

            @pl.loop(0, GRPC - 2)
            def _(j):
                b = lax.rem(q0 + j, 3)
                pltpu.make_async_copy(y_hbm.at[src_v.at[p, j]],
                                      rows_v.at[b], gsem).wait()
                pltpu.async_copy(y_hbm.at[src_v.at[p, j + 2]],
                                 rows_v.at[lax.rem(q0 + j + 2, 3)], gsem)
                pltpu.async_copy(rows_v.at[b], acc_sh.at[dst_v.at[p, j]],
                                 ssem, add=True).wait()

            @pl.when(g + 1 < NGRP)
            def _():
                pltpu.make_async_copy(e_hbm.at[0, cid, sid, 0], src_v.at[pn],
                                      isem).wait()
                pltpu.make_async_copy(e_hbm.at[1, cid, sid, 0], dst_v.at[pn],
                                      isem).wait()

                @pl.loop(GRPC - 2, GRPC)
                def _(j):
                    b = lax.rem(q0 + j, 3)
                    pltpu.make_async_copy(y_hbm.at[src_v.at[p, j]],
                                          rows_v.at[b], gsem).wait()
                    pltpu.async_copy(y_hbm.at[src_v.at[pn, j - (GRPC - 2)]],
                                     rows_v.at[lax.rem(q0 + j + 2, 3)], gsem)
                    pltpu.async_copy(rows_v.at[b], acc_sh.at[dst_v.at[p, j]],
                                     ssem, add=True).wait()

            @pl.when(g + 1 >= NGRP)
            def _():
                @pl.loop(GRPC - 2, GRPC)
                def _(j):
                    b = lax.rem(q0 + j, 3)
                    pltpu.make_async_copy(y_hbm.at[src_v.at[p, j]],
                                          rows_v.at[b], gsem).wait()
                    pltpu.async_copy(rows_v.at[b], acc_sh.at[dst_v.at[p, j]],
                                     ssem, add=True).wait()

        plsc.subcore_barrier()
        pltpu.sync_copy(acc_sh.at[pl.ds(base, RPS)],
                        out_hbm.at[cid, pl.ds(base, RPS)])

    return k(y, e6)



_BM = 1024


@jax.jit
def _tc_prep(histp, x, w):
    def body(dop_ref, dip_ref, x_ref, w_ref, y_ref, no_ref, ni_ref):
        do = jnp.sum(dop_ref[0], axis=0, keepdims=True)
        di = jnp.sum(dip_ref[0], axis=0, keepdims=True)
        no = jnp.transpose(jnp.where(do > 0, lax.rsqrt(do), 0.0))
        ni = jnp.transpose(jnp.where(di > 0, lax.rsqrt(di), 0.0))
        no_ref[...] = no
        ni_ref[...] = ni
        y_ref[...] = jnp.dot(x_ref[...], w_ref[...],
                             preferred_element_type=jnp.float32) * no

    return pl.pallas_call(
        body,
        grid=(NP // _BM,),
        in_specs=[
            pl.BlockSpec((1, NW, _BM), lambda i: (0, 0, i)),
            pl.BlockSpec((1, NW, _BM), lambda i: (1, 0, i)),
            pl.BlockSpec((_BM, D), lambda i: (i, 0)),
            pl.BlockSpec((D, D), lambda i: (0, 0)),
        ],
        out_specs=(
            pl.BlockSpec((_BM, D), lambda i: (i, 0)),
            pl.BlockSpec((_BM, 1), lambda i: (i, 0)),
            pl.BlockSpec((_BM, 1), lambda i: (i, 0)),
        ),
        out_shape=(
            jax.ShapeDtypeStruct((NP, D), jnp.float32),
            jax.ShapeDtypeStruct((NP, 1), jnp.float32),
            jax.ShapeDtypeStruct((NP, 1), jnp.float32),
        ),
    )(histp, histp, x, w)


@jax.jit
def _tc_mid(acc, n_in, b, w, n_out):
    def body(a0_ref, a1_ref, ni_ref, b_ref, w_ref, no_ref, y_ref):
        h = (a0_ref[0] + a1_ref[0]) * ni_ref[...] + b_ref[...]
        h = jnp.maximum(h, 0.0)
        y_ref[...] = jnp.dot(h, w_ref[...],
                             preferred_element_type=jnp.float32) * no_ref[...]

    return pl.pallas_call(
        body,
        grid=(NP // _BM,),
        in_specs=[
            pl.BlockSpec((1, _BM, D), lambda i: (0, i, 0)),
            pl.BlockSpec((1, _BM, D), lambda i: (1, i, 0)),
            pl.BlockSpec((_BM, 1), lambda i: (i, 0)),
            pl.BlockSpec((1, D), lambda i: (0, 0)),
            pl.BlockSpec((D, D), lambda i: (0, 0)),
            pl.BlockSpec((_BM, 1), lambda i: (i, 0)),
        ],
        out_specs=pl.BlockSpec((_BM, D), lambda i: (i, 0)),
        out_shape=jax.ShapeDtypeStruct((NP, D), jnp.float32),
    )(acc, acc, n_in, b, w, n_out)


_BMF = 1000


@jax.jit
def _tc_final(acc, n_in, b):
    def body(a0_ref, a1_ref, ni_ref, b_ref, y_ref):
        y_ref[...] = (a0_ref[0] + a1_ref[0]) * ni_ref[...] + b_ref[...]

    return pl.pallas_call(
        body,
        grid=(N // _BMF,),
        in_specs=[
            pl.BlockSpec((1, _BMF, D), lambda i: (0, i, 0)),
            pl.BlockSpec((1, _BMF, D), lambda i: (1, i, 0)),
            pl.BlockSpec((_BMF, 1), lambda i: (i, 0)),
            pl.BlockSpec((1, D), lambda i: (0, 0)),
        ],
        out_specs=pl.BlockSpec((_BMF, D), lambda i: (i, 0)),
        out_shape=jax.ShapeDtypeStruct((N, D), jnp.float32),
    )(acc, acc, n_in, b)



@jax.jit
def kernel(x, edge_index, W1, b1, W2, b2):
    e5 = edge_index.reshape(2, NC, NS, NCH, G)
    e6 = edge_index.reshape(2, NC, NS, NGRP, GRPC, G)

    hist = _sc_degrees(e5)
    xp = jnp.pad(x, ((0, NP - N), (0, 0)))

    y1, n_out, n_in = _tc_prep(hist.reshape(2, NW, NP), xp, W1)
    acc1 = _sc_aggregate(y1, e6)
    y2 = _tc_mid(acc1, n_in, b1.reshape(1, D), W2, n_out)
    acc2 = _sc_aggregate(y2, e6)
    return _tc_final(acc2, n_in, b2.reshape(1, D))

# --- scband reference (transcript-rebuilt; emitter-appended) ---
"""Pipeline reference for scband-gcn-38766374814063 (READ-ONLY COPY).

The authoritative reference and input builder live on the scoring server;
editing this copy changes nothing except your own understanding.
"""

import jax, jax.numpy as jnp
import numpy as np

N = 10000
E = 320000
D_IN = 128
D_HID = 128
D_OUT = 128


def setup_inputs(seed: int = 0) -> dict:
    key = jax.random.key(seed)
    k1, k2, k3, k4, k5, k6 = jax.random.split(key, 6)
    x = jax.random.normal(k1, (N, D_IN), dtype=jnp.float32)
    edge_index = jax.random.randint(k2, (2, E), 0, N, dtype=jnp.int32)
    W1 = jax.random.normal(k3, (D_IN, D_HID), dtype=jnp.float32) * 0.05
    b1 = jnp.zeros((D_HID,), dtype=jnp.float32)
    W2 = jax.random.normal(k4, (D_HID, D_OUT), dtype=jnp.float32) * 0.05
    b2 = jnp.zeros((D_OUT,), dtype=jnp.float32)
    return {"x": x, "edge_index": edge_index, "W1": W1, "b1": b1, "W2": W2, "b2": b2}


def reference(x, edge_index, W1, b1, W2, b2):
    # DGL-style GraphConv with norm='both': h' = D_in^{-1/2} A D_out^{-1/2} h W + b
    src = edge_index[0]
    dst = edge_index[1]
    ones = jnp.ones((src.shape[0],), dtype=x.dtype)
    deg_out = jax.ops.segment_sum(ones, src, num_segments=N)
    deg_in = jax.ops.segment_sum(ones, dst, num_segments=N)
    norm_out = jnp.where(deg_out > 0, deg_out ** -0.5, 0.0)
    norm_in = jnp.where(deg_in > 0, deg_in ** -0.5, 0.0)

    def conv(h, W, b):
        h = h * norm_out[:, None]
        h = h @ W
        m = jnp.take(h, src, axis=0)
        agg = jax.ops.segment_sum(m, dst, num_segments=N)
        agg = agg * norm_in[:, None]
        return agg + b

    h = jax.nn.relu(conv(x, W1, b1))
    out = conv(h, W2, b2)
    return out

if __name__ == "__main__":
    import jax
    _d = setup_inputs()
    print(jax.jit(kernel)(*tuple(_d.values())))

</pallas_src>

<mosaic_0001>
#map = affine_map<(d0, d1) -> (0, 0, 0, 0, 0)>
#map1 = affine_map<(d0, d1) -> (0, 0, 0, 0)>
module attributes {stable_mosaic.version = 14 : i64} {
  func.func @k(%arg0: i32, %arg1: i32, %arg2: memref<2x2x16x125x80xi32, #tpu.memory_space<hbm>>, %arg3: memref<2x2x16x10240xf32, #tpu.memory_space<hbm>>, %arg4: memref<125x80xi32, #tpu.memory_space<vmem>>, %arg5: memref<125x80xi32, #tpu.memory_space<vmem>>, %arg6: memref<10240xf32, #tpu.memory_space<vmem>>, %arg7: memref<10240xf32, #tpu.memory_space<vmem>>) attributes {dimension_semantics = [#tpu.dimension_semantics<core_parallel>, #tpu.dimension_semantics<subcore_parallel>], iteration_bounds = array<i64: 2, 16>, scalar_prefetch = 0 : i64, scratch_operands = 4 : i64, tpu.core_type = #tpu.core_type<sc_vector_subcore>, window_params = [{transform_indices = #map}, {transform_indices = #map1}]} {
    %scan3A = arith.constant 0 : i32
    %scan3A_0 = arith.constant 640 : i32
    %scan3A_1 = arith.addi %scan3A, %scan3A_0 : i32
    %scan3A_2 = arith.constant 1 : i32
    scf.for %scan3A_12 = %scan3A to %scan3A_1 step %scan3A_2  : i32 {
      %mul3A = arith.constant 1 : i32
      %mul3A_13 = arith.muli %scan3A_12, %mul3A : i32
      %add3A = arith.constant 0 : i32
      %add3A_14 = arith.addi %add3A, %mul3A_13 : i32
      %mul3A_15 = arith.constant 16 : i32
      %mul3A_16 = arith.muli %add3A_14, %mul3A_15 : i32
      %multiple_of3A = tpu.assume_multiple %mul3A_16, 16 : i32
      %broadcast_in_dim3A = arith.constant 0.000000e+00 : f32
      %broadcast_in_dim3A_17 = vector.broadcast %broadcast_in_dim3A : f32 to vector<16xf32>
      %swap3A = arith.index_cast %multiple_of3A : i32 to index
      %swap3A_18 = tpu.vector_load %arg6[%swap3A] {strides = array<i32>} : memref<10240xf32, #tpu.memory_space<vmem>>, vector<16xf32>,
      tpu.vector_store %arg6[%swap3A], %broadcast_in_dim3A_17 {strides = array<i32>} : memref<10240xf32, #tpu.memory_space<vmem>>, vector<16xf32>,
      %broadcast_in_dim3A_19 = arith.constant 0.000000e+00 : f32
      %broadcast_in_dim3A_20 = vector.broadcast %broadcast_in_dim3A_19 : f32 to vector<16xf32>
      %swap3A_21 = arith.index_cast %multiple_of3A : i32 to index
      %swap3A_22 = tpu.vector_load %arg7[%swap3A_21] {strides = array<i32>} : memref<10240xf32, #tpu.memory_space<vmem>>, vector<16xf32>,
      tpu.vector_store %arg7[%swap3A_21], %broadcast_in_dim3A_20 {strides = array<i32>} : memref<10240xf32, #tpu.memory_space<vmem>>, vector<16xf32>,
    }
    %scan3A_3 = arith.constant 640 : i32
    %run_scoped3A = arith.constant 0 : i32
    "tpu.region"() ({
      %run_scoped3A_12 = tpu.sem_alloc : memref<!tpu.dma_semaphore, #tpu.memory_space<semaphore_mem>>
      %dma_start3A = arith.constant 0 : i32
      %dma_start3A_13 = arith.constant 0 : i32
      %dma_start3A_14 = tpu.memref_slice %arg2[%run_scoped3A, %arg0, %arg1, %dma_start3A, %dma_start3A_13] : memref<2x2x16x125x80xi32, #tpu.memory_space<hbm>> -> memref<1x1x1x125x80xi32, #tpu.memory_space<hbm>>
      %dma_start3A_15 = tpu.memref_squeeze %dma_start3A_14 : memref<1x1x1x125x80xi32, #tpu.memory_space<hbm>> -> memref<125x80xi32, #tpu.memory_space<hbm>>
      %dma_start3A_16 = arith.constant 0 : i32
      %dma_start3A_17 = arith.constant 0 : i32
      %dma_start3A_18 = tpu.memref_slice %arg2[%run_scoped3A, %arg0, %arg1, %dma_start3A_16, %dma_start3A_17] : memref<2x2x16x125x80xi32, #tpu.memory_space<hbm>> -> memref<1x1x1x125x80xi32, #tpu.memory_space<hbm>>
      %dma_start3A_19 = tpu.memref_squeeze %dma_start3A_18 : memref<1x1x1x125x80xi32, #tpu.memory_space<hbm>> -> memref<125x80xi32, #tpu.memory_space<hbm>>
      tpu.enqueue_dma source(%dma_start3A_19 : memref<125x80xi32, #tpu.memory_space<hbm>>) target(%arg4 : memref<125x80xi32, #tpu.memory_space<vmem>>) target_semaphore(%run_scoped3A_12 : memref<!tpu.dma_semaphore, #tpu.memory_space<semaphore_mem>>)
      %dma_wait3A = arith.constant 0 : i32
      %dma_wait3A_20 = arith.constant 0 : i32
      %dma_wait3A_21 = tpu.memref_slice %arg2[%run_scoped3A, %arg0, %arg1, %dma_wait3A, %dma_wait3A_20] : memref<2x2x16x125x80xi32, #tpu.memory_space<hbm>> -> memref<1x1x1x125x80xi32, #tpu.memory_space<hbm>>
      %dma_wait3A_22 = tpu.memref_squeeze %dma_wait3A_21 : memref<1x1x1x125x80xi32, #tpu.memory_space<hbm>> -> memref<125x80xi32, #tpu.memory_space<hbm>>
      %dma_wait3A_23 = arith.constant 0 : i32
      %dma_wait3A_24 = arith.constant 0 : i32
      %dma_wait3A_25 = tpu.memref_slice %arg2[%run_scoped3A, %arg0, %arg1, %dma_wait3A_23, %dma_wait3A_24] : memref<2x2x16x125x80xi32, #tpu.memory_space<hbm>> -> memref<1x1x1x125x80xi32, #tpu.memory_space<hbm>>
      %dma_wait3A_26 = tpu.memref_squeeze %dma_wait3A_25 : memref<1x1x1x125x80xi32, #tpu.memory_space<hbm>> -> memref<125x80xi32, #tpu.memory_space<hbm>>
      tpu.wait_dma2 semaphore(%run_scoped3A_12 : memref<!tpu.dma_semaphore, #tpu.memory_space<semaphore_mem>>) src(%dma_wait3A_26 : memref<125x80xi32, #tpu.memory_space<hbm>>) dst(%arg4 : memref<125x80xi32, #tpu.memory_space<vmem>>)
      tpu.yield
    }) : () -> ()
    %run_scoped3A_4 = arith.constant 1 : i32
    "tpu.region"() ({
      %run_scoped3A_12 = tpu.sem_alloc : memref<!tpu.dma_semaphore, #tpu.memory_space<semaphore_mem>>
      %dma_start3A = arith.constant 0 : i32
      %dma_start3A_13 = arith.constant 0 : i32
      %dma_start3A_14 = tpu.memref_slice %arg2[%run_scoped3A_4, %arg0, %arg1, %dma_start3A, %dma_start3A_13] : memref<2x2x16x125x80xi32, #tpu.memory_space<hbm>> -> memref<1x1x1x125x80xi32, #tpu.memory_space<hbm>>
      %dma_start3A_15 = tpu.memref_squeeze %dma_start3A_14 : memref<1x1x1x125x80xi32, #tpu.memory_space<hbm>> -> memref<125x80xi32, #tpu.memory_space<hbm>>
      %dma_start3A_16 = arith.constant 0 : i32
      %dma_start3A_17 = arith.constant 0 : i32
      %dma_start3A_18 = tpu.memref_slice %arg2[%run_scoped3A_4, %arg0, %arg1, %dma_start3A_16, %dma_start3A_17] : memref<2x2x16x125x80xi32, #tpu.memory_space<hbm>> -> memref<1x1x1x125x80xi32, #tpu.memory_space<hbm>>
      %dma_start3A_19 = tpu.memref_squeeze %dma_start3A_18 : memref<1x1x1x125x80xi32, #tpu.memory_space<hbm>> -> memref<125x80xi32, #tpu.memory_space<hbm>>
      tpu.enqueue_dma source(%dma_start3A_19 : memref<125x80xi32, #tpu.memory_space<hbm>>) target(%arg5 : memref<125x80xi32, #tpu.memory_space<vmem>>) target_semaphore(%run_scoped3A_12 : memref<!tpu.dma_semaphore, #tpu.memory_space<semaphore_mem>>)
      %dma_wait3A = arith.constant 0 : i32
      %dma_wait3A_20 = arith.constant 0 : i32
      %dma_wait3A_21 = tpu.memref_slice %arg2[%run_scoped3A_4, %arg0, %arg1, %dma_wait3A, %dma_wait3A_20] : memref<2x2x16x125x80xi32, #tpu.memory_space<hbm>> -> memref<1x1x1x125x80xi32, #tpu.memory_space<hbm>>
      %dma_wait3A_22 = tpu.memref_squeeze %dma_wait3A_21 : memref<1x1x1x125x80xi32, #tpu.memory_space<hbm>> -> memref<125x80xi32, #tpu.memory_space<hbm>>
      %dma_wait3A_23 = arith.constant 0 : i32
      %dma_wait3A_24 = arith.constant 0 : i32
      %dma_wait3A_25 = tpu.memref_slice %arg2[%run_scoped3A_4, %arg0, %arg1, %dma_wait3A_23, %dma_wait3A_24] : memref<2x2x16x125x80xi32, #tpu.memory_space<hbm>> -> memref<1x1x1x125x80xi32, #tpu.memory_space<hbm>>
      %dma_wait3A_26 = tpu.memref_squeeze %dma_wait3A_25 : memref<1x1x1x125x80xi32, #tpu.memory_space<hbm>> -> memref<125x80xi32, #tpu.memory_space<hbm>>
      tpu.wait_dma2 semaphore(%run_scoped3A_12 : memref<!tpu.dma_semaphore, #tpu.memory_space<semaphore_mem>>) src(%dma_wait3A_26 : memref<125x80xi32, #tpu.memory_space<hbm>>) dst(%arg5 : memref<125x80xi32, #tpu.memory_space<vmem>>)
      tpu.yield
    }) : () -> ()
    %scan3A_5 = arith.constant 0 : i32
    %scan3A_6 = arith.constant 125 : i32
    %scan3A_7 = arith.addi %scan3A_5, %scan3A_6 : i32
    %scan3A_8 = arith.constant 1 : i32
    scf.for %scan3A_12 = %scan3A_5 to %scan3A_7 step %scan3A_8  : i32 {
      %mul3A = arith.constant 1 : i32
      %mul3A_13 = arith.muli %scan3A_12, %mul3A : i32
      %add3A = arith.constant 0 : i32
      %add3A_14 = arith.addi %add3A, %mul3A_13 : i32
      %get3A = arith.index_cast %add3A_14 : i32 to index
      %get3A_15 = arith.constant 0 : index
      %get3A_16 = tpu.vector_load %arg4[%get3A, %get3A_15] {strides = array<i32>} : memref<125x80xi32, #tpu.memory_space<vmem>>, vector<16xi32>,
      %get3A_17 = arith.index_cast %add3A_14 : i32 to index
      %get3A_18 = arith.constant 0 : index
      %get3A_19 = tpu.vector_load %arg5[%get3A_17, %get3A_18] {strides = array<i32>} : memref<125x80xi32, #tpu.memory_space<vmem>>, vector<16xi32>,
      %broadcast_in_dim3A = arith.constant 1.000000e+00 : f32
      %broadcast_in_dim3A_20 = vector.broadcast %broadcast_in_dim3A : f32 to vector<16xf32>
      tpu.vector_store_idx %arg6[%get3A_16], %broadcast_in_dim3A_20 {add = true} : memref<10240xf32, #tpu.memory_space<vmem>>[vector<16xi32>], vector<16xf32>,
      %broadcast_in_dim3A_21 = arith.constant 1.000000e+00 : f32
      %broadcast_in_dim3A_22 = vector.broadcast %broadcast_in_dim3A_21 : f32 to vector<16xf32>
      tpu.vector_store_idx %arg7[%get3A_19], %broadcast_in_dim3A_22 {add = true} : memref<10240xf32, #tpu.memory_space<vmem>>[vector<16xi32>], vector<16xf32>,
      %get3A_23 = arith.index_cast %add3A_14 : i32 to index
      %get3A_24 = arith.constant 16 : index
      %get3A_25 = tpu.vector_load %arg4[%get3A_23, %get3A_24] {strides = array<i32>} : memref<125x80xi32, #tpu.memory_space<vmem>>, vector<16xi32>,
      %get3A_26 = arith.index_cast %add3A_14 : i32 to index
      %get3A_27 = arith.constant 16 : index
      %get3A_28 = tpu.vector_load %arg5[%get3A_26, %get3A_27] {strides = array<i32>} : memref<125x80xi32, #tpu.memory_space<vmem>>, vector<16xi32>,
      %broadcast_in_dim3A_29 = arith.constant 1.000000e+00 : f32
      %broadcast_in_dim3A_30 = vector.broadcast %broadcast_in_dim3A_29 : f32 to vector<16xf32>
      tpu.vector_store_idx %arg6[%get3A_25], %broadcast_in_dim3A_30 {add = true} : memref<10240xf32, #tpu.memory_space<vmem>>[vector<16xi32>], vector<16xf32>,
      %broadcast_in_dim3A_31 = arith.constant 1.000000e+00 : f32
      %broadcast_in_dim3A_32 = vector.broadcast %broadcast_in_dim3A_31 : f32 to vector<16xf32>
      tpu.vector_store_idx %arg7[%get3A_28], %broadcast_in_dim3A_32 {add = true} : memref<10240xf32, #tpu.memory_space<vmem>>[vector<16xi32>], vector<16xf32>,
      %get3A_33 = arith.index_cast %add3A_14 : i32 to index
      %get3A_34 = arith.constant 32 : index
      %get3A_35 = tpu.vector_load %arg4[%get3A_33, %get3A_34] {strides = array<i32>} : memref<125x80xi32, #tpu.memory_space<vmem>>, vector<16xi32>,
      %get3A_36 = arith.index_cast %add3A_14 : i32 to index
      %get3A_37 = arith.constant 32 : index
      %get3A_38 = tpu.vector_load %arg5[%get3A_36, %get3A_37] {strides = array<i32>} : memref<125x80xi32, #tpu.memory_space<vmem>>, vector<16xi32>,
      %broadcast_in_dim3A_39 = arith.constant 1.000000e+00 : f32
      %broadcast_in_dim3A_40 = vector.broadcast %broadcast_in_dim3A_39 : f32 to vector<16xf32>
      tpu.vector_store_idx %arg6[%get3A_35], %broadcast_in_dim3A_40 {add = true} : memref<10240xf32, #tpu.memory_space<vmem>>[vector<16xi32>], vector<16xf32>,
      %broadcast_in_dim3A_41 = arith.constant 1.000000e+00 : f32
      %broadcast_in_dim3A_42 = vector.broadcast %broadcast_in_dim3A_41 : f32 to vector<16xf32>
      tpu.vector_store_idx %arg7[%get3A_38], %broadcast_in_dim3A_42 {add = true} : memref<10240xf32, #tpu.memory_space<vmem>>[vector<16xi32>], vector<16xf32>,
      %get3A_43 = arith.index_cast %add3A_14 : i32 to index
      %get3A_44 = arith.constant 48 : index
      %get3A_45 = tpu.vector_load %arg4[%get3A_43, %get3A_44] {strides = array<i32>} : memref<125x80xi32, #tpu.memory_space<vmem>>, vector<16xi32>,
      %get3A_46 = arith.index_cast %add3A_14 : i32 to index
      %get3A_47 = arith.constant 48 : index
      %get3A_48 = tpu.vector_load %arg5[%get3A_46, %get3A_47] {strides = array<i32>} : memref<125x80xi32, #tpu.memory_space<vmem>>, vector<16xi32>,
      %broadcast_in_dim3A_49 = arith.constant 1.000000e+00 : f32
      %broadcast_in_dim3A_50 = vector.broadcast %broadcast_in_dim3A_49 : f32 to vector<16xf32>
      tpu.vector_store_idx %arg6[%get3A_45], %broadcast_in_dim3A_50 {add = true} : memref<10240xf32, #tpu.memory_space<vmem>>[vector<16xi32>], vector<16xf32>,
      %broadcast_in_dim3A_51 = arith.constant 1.000000e+00 : f32
      %broadcast_in_dim3A_52 = vector.broadcast %broadcast_in_dim3A_51 : f32 to vector<16xf32>
      tpu.vector_store_idx %arg7[%get3A_48], %broadcast_in_dim3A_52 {add = true} : memref<10240xf32, #tpu.memory_space<vmem>>[vector<16xi32>], vector<16xf32>,
      %get3A_53 = arith.index_cast %add3A_14 : i32 to index
      %get3A_54 = arith.constant 64 : index
      %get3A_55 = tpu.vector_load %arg4[%get3A_53, %get3A_54] {strides = array<i32>} : memref<125x80xi32, #tpu.memory_space<vmem>>, vector<16xi32>,
      %get3A_56 = arith.index_cast %add3A_14 : i32 to index
      %get3A_57 = arith.constant 64 : index
      %get3A_58 = tpu.vector_load %arg5[%get3A_56, %get3A_57] {strides = array<i32>} : memref<125x80xi32, #tpu.memory_space<vmem>>, vector<16xi32>,
      %broadcast_in_dim3A_59 = arith.constant 1.000000e+00 : f32
      %broadcast_in_dim3A_60 = vector.broadcast %broadcast_in_dim3A_59 : f32 to vector<16xf32>
      tpu.vector_store_idx %arg6[%get3A_55], %broadcast_in_dim3A_60 {add = true} : memref<10240xf32, #tpu.memory_space<vmem>>[vector<16xi32>], vector<16xf32>,
      %broadcast_in_dim3A_61 = arith.constant 1.000000e+00 : f32
      %broadcast_in_dim3A_62 = vector.broadcast %broadcast_in_dim3A_61 : f32 to vector<16xf32>
      tpu.vector_store_idx %arg7[%get3A_58], %broadcast_in_dim3A_62 {add = true} : memref<10240xf32, #tpu.memory_space<vmem>>[vector<16xi32>], vector<16xf32>,
    }
    %scan3A_9 = arith.constant 125 : i32
    %run_scoped3A_10 = arith.constant 0 : i32
    "tpu.region"() ({
      %run_scoped3A_12 = tpu.sem_alloc : memref<!tpu.dma_semaphore, #tpu.memory_space<semaphore_mem>>
      %dma_start3A = arith.constant 0 : i32
      %dma_start3A_13 = tpu.memref_slice %arg3[%run_scoped3A_10, %arg0, %arg1, %dma_start3A] : memref<2x2x16x10240xf32, #tpu.memory_space<hbm>> -> memref<1x1x1x10240xf32, #tpu.memory_space<hbm>>
      %dma_start3A_14 = tpu.memref_squeeze %dma_start3A_13 : memref<1x1x1x10240xf32, #tpu.memory_space<hbm>> -> memref<10240xf32, #tpu.memory_space<hbm>>
      %dma_start3A_15 = arith.constant 0 : i32
      %dma_start3A_16 = tpu.memref_slice %arg3[%run_scoped3A_10, %arg0, %arg1, %dma_start3A_15] : memref<2x2x16x10240xf32, #tpu.memory_space<hbm>> -> memref<1x1x1x10240xf32, #tpu.memory_space<hbm>>
      %dma_start3A_17 = tpu.memref_squeeze %dma_start3A_16 : memref<1x1x1x10240xf32, #tpu.memory_space<hbm>> -> memref<10240xf32, #tpu.memory_space<hbm>>
      tpu.enqueue_dma source(%arg6 : memref<10240xf32, #tpu.memory_space<vmem>>) target(%dma_start3A_17 : memref<10240xf32, #tpu.memory_space<hbm>>) target_semaphore(%run_scoped3A_12 : memref<!tpu.dma_semaphore, #tpu.memory_space<semaphore_mem>>)
      %dma_wait3A = arith.constant 0 : i32
      %dma_wait3A_18 = tpu.memref_slice %arg3[%run_scoped3A_10, %arg0, %arg1, %dma_wait3A] : memref<2x2x16x10240xf32, #tpu.memory_space<hbm>> -> memref<1x1x1x10240xf32, #tpu.memory_space<hbm>>
      %dma_wait3A_19 = tpu.memref_squeeze %dma_wait3A_18 : memref<1x1x1x10240xf32, #tpu.memory_space<hbm>> -> memref<10240xf32, #tpu.memory_space<hbm>>
      %dma_wait3A_20 = arith.constant 0 : i32
      %dma_wait3A_21 = tpu.memref_slice %arg3[%run_scoped3A_10, %arg0, %arg1, %dma_wait3A_20] : memref<2x2x16x10240xf32, #tpu.memory_space<hbm>> -> memref<1x1x1x10240xf32, #tpu.memory_space<hbm>>
      %dma_wait3A_22 = tpu.memref_squeeze %dma_wait3A_21 : memref<1x1x1x10240xf32, #tpu.memory_space<hbm>> -> memref<10240xf32, #tpu.memory_space<hbm>>
      tpu.wait_dma2 semaphore(%run_scoped3A_12 : memref<!tpu.dma_semaphore, #tpu.memory_space<semaphore_mem>>) src(%arg6 : memref<10240xf32, #tpu.memory_space<vmem>>) dst(%dma_wait3A_22 : memref<10240xf32, #tpu.memory_space<hbm>>)
      tpu.yield
    }) : () -> ()
    %run_scoped3A_11 = arith.constant 1 : i32
    "tpu.region"() ({
      %run_scoped3A_12 = tpu.sem_alloc : memref<!tpu.dma_semaphore, #tpu.memory_space<semaphore_mem>>
      %dma_start3A = arith.constant 0 : i32
      %dma_start3A_13 = tpu.memref_slice %arg3[%run_scoped3A_11, %arg0, %arg1, %dma_start3A] : memref<2x2x16x10240xf32, #tpu.memory_space<hbm>> -> memref<1x1x1x10240xf32, #tpu.memory_space<hbm>>
      %dma_start3A_14 = tpu.memref_squeeze %dma_start3A_13 : memref<1x1x1x10240xf32, #tpu.memory_space<hbm>> -> memref<10240xf32, #tpu.memory_space<hbm>>
      %dma_start3A_15 = arith.constant 0 : i32
      %dma_start3A_16 = tpu.memref_slice %arg3[%run_scoped3A_11, %arg0, %arg1, %dma_start3A_15] : memref<2x2x16x10240xf32, #tpu.memory_space<hbm>> -> memref<1x1x1x10240xf32, #tpu.memory_space<hbm>>
      %dma_start3A_17 = tpu.memref_squeeze %dma_start3A_16 : memref<1x1x1x10240xf32, #tpu.memory_space<hbm>> -> memref<10240xf32, #tpu.memory_space<hbm>>
      tpu.enqueue_dma source(%arg7 : memref<10240xf32, #tpu.memory_space<vmem>>) target(%dma_start3A_17 : memref<10240xf32, #tpu.memory_space<hbm>>) target_semaphore(%run_scoped3A_12 : memref<!tpu.dma_semaphore, #tpu.memory_space<semaphore_mem>>)
      %dma_wait3A = arith.constant 0 : i32
      %dma_wait3A_18 = tpu.memref_slice %arg3[%run_scoped3A_11, %arg0, %arg1, %dma_wait3A] : memref<2x2x16x10240xf32, #tpu.memory_space<hbm>> -> memref<1x1x1x10240xf32, #tpu.memory_space<hbm>>
      %dma_wait3A_19 = tpu.memref_squeeze %dma_wait3A_18 : memref<1x1x1x10240xf32, #tpu.memory_space<hbm>> -> memref<10240xf32, #tpu.memory_space<hbm>>
      %dma_wait3A_20 = arith.constant 0 : i32
      %dma_wait3A_21 = tpu.memref_slice %arg3[%run_scoped3A_11, %arg0, %arg1, %dma_wait3A_20] : memref<2x2x16x10240xf32, #tpu.memory_space<hbm>> -> memref<1x1x1x10240xf32, #tpu.memory_space<hbm>>
      %dma_wait3A_22 = tpu.memref_squeeze %dma_wait3A_21 : memref<1x1x1x10240xf32, #tpu.memory_space<hbm>> -> memref<10240xf32, #tpu.memory_space<hbm>>
      tpu.wait_dma2 semaphore(%run_scoped3A_12 : memref<!tpu.dma_semaphore, #tpu.memory_space<semaphore_mem>>) src(%arg7 : memref<10240xf32, #tpu.memory_space<vmem>>) dst(%dma_wait3A_22 : memref<10240xf32, #tpu.memory_space<hbm>>)
      tpu.yield
    }) : () -> ()
    return
  }
}

</mosaic_0001>

<sc_bundles>
// kernel: _sc_degrees.3.cloned.1.call-start
scs
__scs_entry_jumppad:
0x0: {  	(pc) =	sbr.rel $0x88, $3  }
0x1: {  	(tag) =	ssettag $0x0;
	lr =	simm.s32 $0x1  }
0x2: {  	[smem:$0x3FA0] =	sst lr;
	_ =	strace $0xD0000000  }
0x3: {  	_ = 	snop  }
0x4: {  	_ = 	snop  }
0x5: {  	_ = 	snop  }
0x6: {  	_ = 	snop  }
0x7: {  	_ = 	snop  }
__scs_overlays_trampoline_lowered:
0x8: {  	[smem:$0x3FAF] =	sst s0  }
0x9: {  	[smem:$0x3FB0] =	sst s1  }
0xa: {  	[smem:$0x3FB1] =	sst s2  }
0xb: {  	[smem:$0x3FB2] =	sst s3  }
0xc: {  	[smem:$0x3FB3] =	sst s4  }
0xd: {  	[smem:$0x3FB4] =	sst s5  }
0xe: {  	[smem:$0x3FB5] =	sst s6  }
0xf: {  	[smem:$0x3FB6] =	sst s7  }
0x10: {  	[smem:$0x3FB7] =	sst s8  }
0x11: {  	[smem:$0x3FB8] =	sst s9;
	s0 =	simm.s32 @!p0 $0x0  }
0x12: {  	s1 =	sld [smem:$0x3F9E];
	s0 =	simm.s32 @p0 $0x1  }
0x13: {  	[smem:$0x3FB9] =	sst s0;
	s0 =	simm.s32 @!p1 $0x0  }
0x14: {  	s2 =	sld [smem:$0x3F9D];
	s0 =	simm.s32 @p1 $0x1  }
0x15: {  	[smem:$0x3FBA] =	sst s0;
	s0 =	simm.s32 @!p2 $0x0  }
0x16: {  	s3 =	sld [smem:$0x3FDB];
	s0 =	simm.s32 @p2 $0x1  }
0x17: {  	s4 =	simm.s32 $0x1BF5;
	[smem:$0x3FBC] =	sst s0  }
0x18: {  	s0 =	sld [smem:$0x3F9F];
	_ =	swait.ge [sflag:s4], $0x0  }
0x19: {  	s7 =	sld [smem:$0x3FA0]  }
0x1a: {  	s8 =	sadd.s32 $0xFFFFE003, lr  }
0x1b: {  	s9 =	sadd.s32 $0xFFFFFEF7, lr;
	s5 =	simm.s32 $0xFFFFFFFF;
	p2 =	slt.u32 s8, $0xFFFFF086  }
0x1c: {  	p1 =	slt.u32 s9, $0xF7A;
	s5 =	simm.s32 @!p2 $0x0  }
0x1d: {  	s5 =	simm.s32 @p1 $0x1;
	p0 =	seq.s32 s7, s2  }
0x1e: {  	s7 =	smul.u32 @!p0 $0xF7A, s2;
	p2 =	seq.s32 @!p0 s5, $0x0  }
0x1f: {  	s9 =	smul.u32 $0xF7A, s1;
	s8 =	simm.s32 @!p0 $0x1BF5;
	p2 =	por !p2, p0  }
0x20: {  	[sflag:s8] =	ssyncset.s32 @!p0 $0xFFFFF086;
	s6 =	sadd.s32 @!p0 s3, s7;
	s7 =	simm.s32 @!p0 $0x108  }
0x21: {  	s3 =	sadd.s32 s3, s9;
	s6 =	sadd.s32 @!p0 $0x88, s6;
	s7 =	simm.s32 @p2 $0x1082  }
0x22: {  	[simem:s7], [sflag:s8] =	dma.local @!p0 [hbm:s6], $0xF7A  }
0x23: {  	s9 =	sor.u32 $0xD0000000, s2;
	s6 =	simm.s32 $0x108;
	_ =	swait.ge @!p0 [sflag:s8], $0x0  }
0x24: {  	s3 =	sadd.s32 $0x88, s3;
	s6 =	simm.s32 @!p1 $0x1082;
	[sflag:s4] =	ssyncset.s32 $0xFFFFF086  }
0x25: {  	[simem:s6], [sflag:s4] =	dma.local [hbm:s3], $0xF7A  }
0x26: {  	[smem:$0x3FA0] =	sst s1;
	(tag) =	ssettag s2;
	_ =	strace s9  }
0x27: {  	s1 =	sld [smem:$0x3FB0]  }
0x28: {  	s2 =	sld [smem:$0x3FB1]  }
0x29: {  	s4 =	sld [smem:$0x3FB3]  }
0x2a: {  	p0 =	seq.s32 s5, $0x0;
	s5 =	sld [smem:$0x3FB4]  }
0x2b: {  	s6 =	sld [smem:$0x3FB5]  }
0x2c: {  	s7 =	sld [smem:$0x3FB6]  }
0x2d: {  	s3 =	simm.s32 $0x108;
	s8 =	sld [smem:$0x3FB7]  }
0x2e: {  	s3 =	simm.s32 @!p0 $0x1082;
	s9 =	sld [smem:$0x3FB8]  }
0x2f: {  	lr =	sadd.s32 s0, s3;
	s0 =	sld [smem:$0x3FAF]  }
0x30: {  	s3 =	sld [smem:$0x3FB2]  }
0x31: {  	[smem:$0x3FBB] =	sst s10  }
0x32: {  	s10 =	sld [smem:$0x3FB9];
	_ =	sdelay $0x3  }
0x33: {  	p0 =	seq.s32 s10, $0x1;
	s10 =	sld [smem:$0x3FBB];
	_ =	sdelay $0x3  }
0x34: {  	[smem:$0x3FBB] =	sst s10  }
0x35: {  	s10 =	sld [smem:$0x3FBA];
	_ =	sdelay $0x3  }
0x36: {  	p1 =	seq.s32 s10, $0x1;
	s10 =	sld [smem:$0x3FBB];
	_ =	sdelay $0x3  }
0x37: {  	[smem:$0x3FBB] =	sst s10  }
0x38: {  	s10 =	sld [smem:$0x3FBC]  }
0x39: {  	_ = 	snop;
	(pc) =	sbr.ind lr, $3  }
0x3a: {  	_ = 	snop  }
0x3b: {  	_ = 	snop  }
0x3c: {  	p2 =	seq.s32 s10, $0x1;
	s10 =	sld [smem:$0x3FBB]  }
0x3d: {  	_ =	shalt  }
0x3e: {  	_ =	shalt  }
0x3f: {  	_ =	shalt  }
0x40: {  	_ =	shalt  }
0x41: {  	_ =	shalt  }
0x42: {  	_ =	shalt  }
0x43: {  	_ =	shalt  }
0x44: {  	_ =	shalt  }
0x45: {  	_ =	shalt  }
0x46: {  	_ =	shalt  }
0x47: {  	_ =	shalt  }
0x48: {  	_ =	shalt  }
0x49: {  	_ =	shalt  }
0x4a: {  	_ =	shalt  }
0x4b: {  	_ =	shalt  }
0x4c: {  	_ =	shalt  }
0x4d: {  	_ =	shalt  }
0x4e: {  	_ =	shalt  }
0x4f: {  	_ =	shalt  }
0x50: {  	_ =	shalt  }
0x51: {  	_ =	shalt  }
0x52: {  	_ =	shalt  }
0x53: {  	_ =	shalt  }
0x54: {  	_ =	shalt  }
0x55: {  	_ =	shalt  }
0x56: {  	_ =	shalt  }
0x57: {  	_ =	shalt  }
0x58: {  	_ =	shalt  }
0x59: {  	_ =	shalt  }
0x5a: {  	_ =	shalt  }
0x5b: {  	_ =	shalt  }
0x5c: {  	_ =	shalt  }
0x5d: {  	_ =	shalt  }
0x5e: {  	_ =	shalt  }
0x5f: {  	_ =	shalt  }
0x60: {  	_ =	shalt  }
0x61: {  	_ =	shalt  }
0x62: {  	_ =	shalt  }
0x63: {  	_ =	shalt  }
0x64: {  	_ =	shalt  }
0x65: {  	_ =	shalt  }
0x66: {  	_ =	shalt  }
0x67: {  	_ =	shalt  }
0x68: {  	_ =	shalt  }
0x69: {  	_ =	shalt  }
0x6a: {  	_ =	shalt  }
0x6b: {  	_ =	shalt  }
0x6c: {  	_ =	shalt  }
0x6d: {  	_ =	shalt  }
0x6e: {  	_ =	shalt  }
0x6f: {  	_ =	shalt  }
0x70: {  	_ =	shalt  }
0x71: {  	_ =	shalt  }
0x72: {  	_ =	shalt  }
0x73: {  	_ =	shalt  }
0x74: {  	_ =	shalt  }
0x75: {  	_ =	shalt  }
0x76: {  	_ =	shalt  }
0x77: {  	_ =	shalt  }
0x78: {  	_ =	shalt  }
0x79: {  	_ =	shalt  }
0x7a: {  	_ =	shalt  }
0x7b: {  	_ =	shalt  }
0x7c: {  	_ =	shalt  }
0x7d: {  	_ =	shalt  }
0x7e: {  	_ =	shalt  }
0x7f: {  	_ =	shalt  }
0x80: {  	_ =	shalt  }
0x81: {  	_ =	shalt  }
0x82: {  	_ =	shalt  }
0x83: {  	_ =	shalt  }
0x84: {  	_ =	shalt  }
0x85: {  	_ =	shalt  }
0x86: {  	_ =	shalt  }
0x87: {  	_ =	shalt  }
.Lfunc_end0:
.L_simem_size_0:
called_computation_lowered:
.L_overlay_start_0:
0x88: {  	s2 =	sld [smem:$0x3FD9]  }
0x89: {  	s3 =	sld [smem:$0x3FFE];
	_ =	sdelay $0x1  }
0x8a: {  	s1 =	srdreg.scid  }
0x8b: {  	s0 =	sand.u32 $0x1, s1  }
0x8c: {  	s17 =	sshll.u32 s0, $0xA;
	s2 =	sadd.s32 s3, s2  }
0x8d: {  	s2 =	sadd.s32 s2, s17  }
0x8e: {  	[smem:$0x3FC7] =	sst s2  }
0x8f: {  	_ = 	snop  }
0x90: {  	s2 =	sld [smem:$0x3FD0];
	(tm) =	ssettm $0x1  }
0x91: {  	s18 =	sld [smem:$0x3FFB];
	_ =	sdelay $0x3  }
0x92: {  	_ =	strace s18  }
0x93: {  	s3 =	sld [smem:$0x3FFC];
	_ =	sdelay $0x3  }
0x94: {  	_ =	strace s3  }
0x95: {  	s3 =	sld [smem:$0x3FFD];
	_ =	sdelay $0x3  }
0x96: {  	_ =	strace s3  }
0x97: {  	_ =	strace $0x8FFFFFFF  }
0x98: {  	s19 =	sld [smem:$0x3FDB];
	_ =	sdelay $0x1  }
0x99: {  	s4 =	simm.s32 $_scs_section_size  }
0x9a: {  	s5 =	simm.s32 $_size__tile_overlayer_lowered;
	s6 =	simm.s32 $_tile_overlayer_lowered  }
0x9b: {  	s22 =	simm.s32 $0x1BFF;
	s21 =	sshll.u32 s6, $0x1;
	s3 =	sadd.s32 s4, s19  }
0x9c: {  	s7 =	simm.s32 $0x0;
	s20 =	sshll.u32 s5, $0x1;
	s5 =	sadd.s32 s21, s3  }
0x9d: {  	[timem:s7], [sflag:s22] =	dma.local [hbm:s5], s20  }
0x9e: {  	_ =	swait.ge [sflag:s22], s20  }
0x9f: {  	s4 =	ssub.s32 $0x0, s20;
	[sflag:s22] =	ssyncset.done $0x0  }
0xa0: {  	[sflag:s22] =	ssyncadd.s32 s4;
	_ =	sdelay $0x1  }
0xa1: {  	s23 =	simm.s32 $0x1B8B  }
0xa2: {  	_ =	swait.ge [sflag:s23], $0x1  }
0xa3: {  	[sflag:s23] =	ssyncset.done $0x0  }
0xa4: {  	s25 =	simm.s32 $0x1B8E;
	s24 =	sld [smem:$0x3FFE];
	[sflag:s23] =	ssyncadd.s32 $0xFFFFFFFF  }
0xa5: {  	s26 =	simm.s32 $execute0_lowered;
	[smem:$0x3FD2] =	sst s25  }
0xa6: {  	s5 =	sshll.u32 s26, $0x1;
	_ =	strace $0x80000046;
	[dreg:$0x1] =	wrdreg $0xFFFFFFFF  }
0xa7: {  	s28 =	simm.s32 $_size_execute0_lowered;
	s3 =	sadd.s32 s3, s5;
	[dreg:$0x0] =	wrdreg $0x0  }
0xa8: {  	s5 =	sshll.u32 s28, $0x1;
	[dreg:$0x2] =	wrdreg s3  }
0xa9: {  	[dreg:$0x3] =	wrdreg s5  }
0xaa: {  	[dreg:$0x4] =	wrdreg $0xC0  }
0xab: {  	_ =	task [dreg:s7], $0x5FFFF  }
0xac: {  	[dreg:$0x1] =	wrdreg $0xFFFFFFFF  }
0xad: {  	[dreg:$0x0] =	wrdreg $0x60  }
0xae: {  	[dreg:$0x2] =	wrdreg s24  }
0xaf: {  	[dreg:$0x3] =	wrdreg s2  }
0xb0: {  	[dreg:$0x4] =	wrdreg $0x9  }
0xb1: {  	_ =	task.clear_ibuf [dreg:s7], $0x5FFFF;
	_ =	strace $0x90000046  }
0xb2: {  	s29 =	simm.s32 $0x9;
	_ =	strace $0x80000048  }
0xb3: {  	_ =	swait.ge [sflag:s29], $0x1  }
0xb4: {  	[sflag:s29] =	ssyncadd.s32 $0xFFFFFFFF  }
0xb5: {  	_ =	strace $0x90000048  }
0xb6: {  	_ =	sfence  }
0xb7: {  	s30 =	sld [smem:$0x0];
	_ =	sdelay $0x2  }
0xb8: {  	s31 =	sshll.u32 s1, $0xD;
	s1 =	sshrl.u32 s1, $0x2  }
0xb9: {  	s3 =	sand.u32 $0x4000, s31;
	s1 =	sadd.s32 s1, s30  }
0xba: {  	s0 =	sor.u32 s3, s0;
	s1 =	sshll.u32 s1, $0x11  }
0xbb: {  	s0 =	sor.u32 s1, s0  }
0xbc: {  	s0 =	sadd.s32 $0x8F2B, s0  }
0xbd: {  	[sflag:s0] =	ssyncadd.remote.s32 $0x1  }
0xbe: {  	_ =	sfence.sel $0xFFFF  }
0xbf: {  	[dreg:$0x0] =	wrdreg $0xFFFFFFFF;
	(pc) =	sbr.abs _section_cstart, $3  }
0xc0: {  	[dreg:$0x1] =	wrdreg $0xFFFFFFFF  }
0xc1: {  	_ =	task.clear_ibuf [dreg:s7], $0x2FFFF;
	_ =	strace $0x9FFFFFFF  }
0xc2: {  	(tm) =	ssettm $0x7FFFFFFF  }
0xc3: {  	_ =	shalt  }
tec
execute0_lowered:
.L_overlay_start_1:
0x0: {  	(tag) =	ssettag $0x1  }
0x1: {  	s3 =	rddreg [dreg:$0x0]  }
0x2: {  	s6 =	rddreg [dreg:$0x1]  }
0x3: {  	s0 =	rddreg [dreg:$0x2];
	s4 =	srdreg.scid  }
0x4: {  	s2 =	simm.s32 $0x0;
	s1 =	stileid.u32;
	s10 =	simm.s32 $0x8000  }
0x5: {  	s11 =	simm.s32 $0xA800;
	s12 =	simm.s32 $0x80;
	s13 =	simm.s32 $0x400  }
0x6: {  	s4 =	sand.u32 $0x1, s4;
	[smem:$0x7FF] =	sst s2;
	s7 =	sshrl.u32 s1, $0x3  }
0x7: {  	s9 =	sshll.u32 s1, $0xB;
	s25 =	sshll.u32 s1, $0x7;
	s5 =	smul.u32 $0x28000, s4  }
0x8: {  	s8 =	sshll.u32 s4, $0xF;
	s7 =	smul.u32 $0x14000, s7;
	_ =	strace $0x80000047  }
0x9: {  	s4 =	ssub.s32 $0x2, s4;
	s26 =	sand.u32 $0x380, s25;
	s8 =	sor.u32 s9, s8  }
0xa: {  	s28 =	sshrl.u32 s4, $0x1;
	s9 =	simm.s32 $0x4000;
	s5 =	sadd.s32 s5, s7  }
0xb: {  	s8 =	sadd.s32 s8, s3;
	s29 =	ssub.s32 s4, s28;
	s5 =	sor.u32 s26, s5  }
0xc: {  	s3 =	sadd.s32 $0x400, s8;
	s4 =	sadd.s32 $0x10400, s8;
	s30 =	sadd.s32 $0x50000, s5  }
0xd: {  	s7 =	smax.u32 s29, $0x1;
	s5 =	sshrl.u32 s5, $0x3;
	s31 =	sshrl.u32 s30, $0x3  }
0xe: {  	v0 =	vimm.f32 $0.0e+00;
	v1 =	vimm.f32 $1.000000000e+00;
	s8 =	simm.s32 $0x1;
	s5 =	sadd.s32 s6, s5;
	s6 =	sadd.s32 s6, s31  }
.LBB2_1:
0xf: {  	s14 =	simm.s32 $0x40;
	s15 =	simm.s32 $0x0  }
.LBB2_2:
0x10: {  	p0 =	sne.s32 s14, $0x9FC0;
	[tilespmem:s15+$0x8000] =	vst v0;
	s16 =	smov.u32 s14;
	s14 =	sadd.s32 $0x40, s14  }
.Ltmp0:
0x11: {  	[tilespmem:s15+$0xA800] =	vst v0;
	(pc) =	sbr.rel @p0 .LBB2_2-.Ltmp0, $2  }
0x12: {  	_ =	sdelay $0x2  }
0x13: {  	s15 =	sshra.s32 s16, $0x2  }
0x14: {  	[tilespmem:s15+$0x8000] =	vst v0  }
0x15: {  	[tilespmem:s15+$0xA800] =	vst v0;
	s14 =	simm.s32 $0x0  }
0x16: {  	[tilespmem:s14], [sflag:$0x1] =	stream.linear.gather [hbm4b:s3+s14], $0x3E80, $0x38;
	[tilespmem:$0xD000] =	vst v63  }
0x17: {  	_ =	swait.ge [sflag:s8], $0x3E80  }
0x18: {  	[sflag:s8] =	ssyncset.done $0x0  }
0x19: {  	[sflag:s8] =	ssyncadd.s32 $0xFFFFC180  }
0x1a: {  	[tilespmem:s9], [sflag:$0x1] =	stream.linear.gather [hbm4b:s4+s14], $0x3E80, $0x38;
	[tilespmem:$0xD000] =	vst v63  }
0x1b: {  	_ =	swait.ge [sflag:s8], $0x3E80  }
0x1c: {  	[sflag:s8] =	ssyncset.done $0x0  }
0x1d: {  	[sflag:s8] =	ssyncadd.s32 $0xFFFFC180  }
.LBB2_4:
0x1e: {  	s15 =	sshra.s32 s14, $0x2  }
0x1f: {  	v2 =	vld [tilespmem:s15+$0x0]  }
0x20: {  	v3 =	vld [tilespmem:s15+$0x4000];
	_ =	sdelay $0x6  }
0x21: {  	[tilespmem:v2+s10+$0x0] =	vst.idx.add.f32.msk $0xffff, v1  }
0x22: {  	[tilespmem:v3+s11+$0x0] =	vst.idx.add.f32.msk $0xffff, v1  }
0x23: {  	v2 =	vld [tilespmem:s15+$0x10]  }
0x24: {  	v3 =	vld [tilespmem:s15+$0x4010];
	_ =	sdelay $0x6  }
0x25: {  	[tilespmem:v2+s10+$0x0] =	vst.idx.add.f32.msk $0xffff, v1  }
0x26: {  	[tilespmem:v3+s11+$0x0] =	vst.idx.add.f32.msk $0xffff, v1  }
0x27: {  	v2 =	vld [tilespmem:s15+$0x20]  }
0x28: {  	v3 =	vld [tilespmem:s15+$0x4020];
	_ =	sdelay $0x6  }
0x29: {  	[tilespmem:v2+s10+$0x0] =	vst.idx.add.f32.msk $0xffff, v1  }
0x2a: {  	[tilespmem:v3+s11+$0x0] =	vst.idx.add.f32.msk $0xffff, v1  }
0x2b: {  	v2 =	vld [tilespmem:s15+$0x30]  }
0x2c: {  	v3 =	vld [tilespmem:s15+$0x4030];
	_ =	sdelay $0x6  }
0x2d: {  	[tilespmem:v2+s10+$0x0] =	vst.idx.add.f32.msk $0xffff, v1  }
0x2e: {  	[tilespmem:v3+s11+$0x0] =	vst.idx.add.f32.msk $0xffff, v1  }
0x2f: {  	v2 =	vld [tilespmem:s15+$0x40]  }
0x30: {  	v3 =	vld [tilespmem:s15+$0x4040];
	_ =	sdelay $0x2  }
0x31: {  	p0 =	sne.s32 s14, $0xF800  }
.Ltmp1:
0x32: {  	_ = 	snop;
	(pc) =	sbr.rel @p0 .LBB2_4-.Ltmp1, $3  }
0x33: {  	_ =	sdelay $0x1  }
0x34: {  	[tilespmem:v2+s10+$0x0] =	vst.idx.add.f32.msk $0xffff, v1  }
0x35: {  	s14 =	sadd.s32 $0x200, s14;
	[tilespmem:v3+s11+$0x0] =	vst.idx.add.f32.msk $0xffff, v1  }
0x36: {  	[hbm4b:s5+s12] =	stream.strided.scatter [tilespmem:s10], [sflag:$0x1], $0x2800, s13, s12, $0x38;
	[tilespmem:$0xD000] =	vst v63  }
0x37: {  	s2 =	sadd.s32 $0x1, s2;
	_ =	swait.ge [sflag:s8], $0x2800  }
0x38: {  	p0 =	sne.s32 s2, s7;
	[sflag:s8] =	ssyncset.done $0x0  }
.Ltmp2:
0x39: {  	[sflag:s8] =	ssyncadd.s32 $0xFFFFD800;
	(pc) =	sbr.rel @p0 .LBB2_1-.Ltmp2, $4  }
0x3a: {  	[hbm4b:s6+s12] =	stream.strided.scatter [tilespmem:s11], [sflag:$0x1], $0x2800, s13, s12, $0x38;
	[tilespmem:$0xD000] =	vst v63  }
0x3b: {  	_ =	swait.ge [sflag:s8], $0x2800  }
0x3c: {  	[sflag:s8] =	ssyncset.done $0x0  }
0x3d: {  	[sflag:s8] =	ssyncadd.s32 $0xFFFFD800  }
0x3e: {  	_ =	sfence.sel $0x180000  }
0x3f: {  	[bflag:$0x0] =	sbarrier.arrive $0xFFFF  }
0x40: {  	p0 =	sne.s32 s1, $0x0;
	_ =	strace $0x90000047  }
0x41: {  	s0 =	sadd.s32 @!p0 $0x100000, s0;
	[bflag:$0x2] =	sbarrier.arrive $0xFFFF  }
0x42: {  	[sflag:s0] =	ssyncadd.tile.s32 @!p0 $0x1;
	_ =	shalt  }
.Lfunc_end2:
_tile_overlayer_lowered:
.L_overlay_start_2:
0x43: {  	(tag) =	ssettag $0x2  }
0x44: {  	s0 =	rddreg [dreg:$0x0];
	s2 =	stileid.u32  }
0x45: {  	s1 =	rddreg [dreg:$0x1];
	p0 =	sne.s32 s2, $0x0  }
0x46: {  	s3 =	rddreg [dreg:$0x2];
	[bflag:$0x3] =	sbarrier.arrive $0xFFFF;
	s2 =	simm.s32 @!p0 $0x1C01  }
0x47: {  	[timem:s3], [sflag:s2] =	dma.local @!p0 [hbm:s0], s1  }
0x48: {  	s0 =	simm.s32 @!p0 $0x1  }
0x49: {  	_ =	swait.ge @!p0 [sflag:s0], s1  }
0x4a: {  	s1 =	ssub.s32 @!p0 $0x0, s1;
	[sflag:s0] =	ssyncset.done @!p0 $0x0  }
0x4b: {  	[sflag:s0] =	ssyncadd.s32 @!p0 s1  }
0x4c: {  	[bflag:$0x3] =	sbarrier.arrive $0xFFFF  }
0x4d: {  	_ =	shalt  }

</sc_bundles>
